<compile_context>
chip_gen: v7x
topology: tpu7x:2x2x1
jax: 0.10.2.dev20260603
libtpu: 0.0.44.dev20260713+nightly
codegen_flags: <defaults>
</compile_context>

<pallas_src>
import functools

import jax
import jax.numpy as jnp
from jax import lax
from jax.experimental import pallas as pl
from jax.experimental.pallas import tpu as pltpu
from jax.experimental.pallas import tpu_sc as plsc

NEG_INF = -1000000.0
PAD_NEG = -1.0e9
C = 64
LT = 11
VOCAB = 100000
BSZ = 16
N_LEN = 128
NW = 32
PW = (LT * BSZ * N_LEN) // NW
LSE_CH = 12800
LSE_NCH = -(-VOCAB // LSE_CH)


def _sc_gather_body(table_hbm, idx_hbm, out_hbm, idx_v, rows_v, sem):
    wid = lax.axis_index("s") * 2 + lax.axis_index("c")
    pltpu.sync_copy(idx_hbm.at[wid], idx_v)
    cps = []
    for c0 in range(0, PW, 128):
        w = min(128, PW - c0)
        cps.append(
            pltpu.async_copy(
                table_hbm.at[idx_v.at[pl.ds(c0, w)]],
                rows_v.at[pl.ds(c0, w)],
                sem,
            )
        )
    for cp in cps:
        cp.wait()
    pltpu.sync_copy(rows_v, out_hbm.at[wid])


@functools.partial(jax.jit)
def _sc_gather(table, idx):
    mesh = plsc.VectorSubcoreMesh(core_axis_name="c", subcore_axis_name="s")
    return pl.kernel(
        _sc_gather_body,
        out_type=jax.ShapeDtypeStruct((NW, PW, 128), jnp.float32),
        mesh=mesh,
        scratch_types=[
            pltpu.VMEM((PW,), jnp.int32),
            pltpu.VMEM((PW, 128), jnp.float32),
            pltpu.SemaphoreType.DMA,
        ],
    )(table, idx)


def _lse_body(emb_ref, out_ref, m_ref, s_ref):
    ci = pl.program_id(1)

    @pl.when(ci == 0)
    def _():
        m_ref[...] = jnp.full((C, 1), -3.0e38, jnp.float32)
        s_ref[...] = jnp.zeros((C, 1), jnp.float32)

    x = emb_ref[0]
    lane = lax.broadcasted_iota(jnp.int32, (C, LSE_CH), 1)
    x = jnp.where(lane < VOCAB - ci * LSE_CH, x, -3.0e38)
    cm = jnp.max(x, axis=1, keepdims=True)
    m_old = m_ref[...]
    m_new = jnp.maximum(m_old, cm)
    s_ref[...] = s_ref[...] * jnp.exp(m_old - m_new) + jnp.sum(
        jnp.exp(x - m_new), axis=1, keepdims=True
    )
    m_ref[...] = m_new

    @pl.when(ci == LSE_NCH - 1)
    def _():
        out_ref[0] = m_ref[...] + jnp.log(s_ref[...])


def _lse_call(emb_t):
    return pl.pallas_call(
        _lse_body,
        grid=(LT, LSE_NCH),
        in_specs=[pl.BlockSpec((1, C, LSE_CH), lambda l, ci: (l, 0, ci))],
        out_specs=pl.BlockSpec((1, C, 1), lambda l, ci: (l, 0, 0)),
        out_shape=jax.ShapeDtypeStruct((LT, C, 1), jnp.float32),
        scratch_shapes=[
            pltpu.VMEM((C, 1), jnp.float32),
            pltpu.VMEM((C, 1), jnp.float32),
        ],
    )(emb_t)


def _dp_body(rows_ref, ids_ref, plse_ref, z_ref, lj_ref, len_ref, out_ref,
             e3_ref, betas_ref):
    f32 = jnp.float32
    z = z_ref[...]
    zm = jnp.max(z, axis=1, keepdims=True)
    z_log = (z - zm) - jnp.log(jnp.sum(jnp.exp(z - zm), axis=1, keepdims=True))
    P = jnp.exp(z_log)

    lv = lj_ref[...]
    lm = jnp.maximum(jnp.max(lv, axis=0, keepdims=True), NEG_INF)
    den = jnp.sum(jnp.exp(lv - lm), axis=0, keepdims=True) + jnp.exp(NEG_INF - lm)
    llj = (lv - lm) - jnp.log(den)

    lsej = plse_ref[:, 0, :]

    r128 = rows_ref[...]
    idv = ids_ref[...][:, :, :, None]
    rv = jnp.where((idv & 1) == 1, r128[:, :, :, 64:128], r128[:, :, :, 0:64])
    em = rv - lsej[None, :, None, :]
    em = jnp.where(idv == 1, f32(NEG_INF), em)
    em = jnp.where(idv == 0, f32(0.0), em)
    e3_ref[...] = em + llj[None, :, None, :]

    col = lax.broadcasted_iota(jnp.int32, (BSZ, C), 1)
    beta0 = jnp.where(col == 0, f32(0.0), f32(NEG_INF))
    betas_ref[pl.ds(0, 1)] = beta0[None]

    hist0 = jnp.concatenate(
        [jnp.full((LT - 1, BSZ, C), f32(PAD_NEG)),
         jnp.broadcast_to(z_log[0][None, None, :], (1, BSZ, C))], axis=0)

    def step(n, hist):
        e3n = e3_ref[pl.ds(n, 1)].reshape(LT, BSZ, C)
        v = hist + e3n
        mx = jnp.max(v, axis=0)
        beta = mx + jnp.log(jnp.sum(jnp.exp(v - mx[None]), axis=0))
        betas_ref[pl.ds(n, 1)] = beta[None]
        bm = jnp.max(beta, axis=1, keepdims=True)
        p = jnp.exp(beta - bm)
        acc = lax.dot(p, P, preferred_element_type=f32)
        tr = jnp.log(jnp.maximum(acc, f32(1e-38))) + bm
        return jnp.concatenate([hist[1:], tr[None]], axis=0)

    lax.fori_loop(1, N_LEN, step, hist0)

    fin = []
    for bi in range(BSZ):
        lb = len_ref[0, bi]
        fin.append(betas_ref[pl.ds(lb, 1), pl.ds(bi, 1), :])
    f = jnp.concatenate(fin, axis=1).reshape(BSZ, C)
    fm = jnp.max(f, axis=1)
    out_ref[0, :] = fm + jnp.log(jnp.sum(jnp.exp(f - fm[:, None]), axis=1))


def _dp_call(rows, ids_e3, plse, z_per_z, lj, lens):
    return pl.pallas_call(
        _dp_body,
        in_specs=[
            pl.BlockSpec(memory_space=pltpu.VMEM),
            pl.BlockSpec(memory_space=pltpu.VMEM),
            pl.BlockSpec(memory_space=pltpu.VMEM),
            pl.BlockSpec(memory_space=pltpu.VMEM),
            pl.BlockSpec(memory_space=pltpu.VMEM),
            pl.BlockSpec(memory_space=pltpu.SMEM),
        ],
        out_specs=pl.BlockSpec(memory_space=pltpu.VMEM),
        out_shape=jax.ShapeDtypeStruct((1, BSZ), jnp.float32),
        scratch_shapes=[
            pltpu.VMEM((N_LEN, LT, BSZ, C), jnp.float32),
            pltpu.VMEM((N_LEN, BSZ, C), jnp.float32),
        ],
    )(rows, ids_e3, plse, z_per_z, lj, lens)


def _build_ids_e3(ngram_ids):
    ids = ngram_ids[1:].astype(jnp.int32)
    arr = jnp.transpose(ids, (2, 0, 1))
    cols = []
    for t in range(LT):
        k = t + 1
        col = jnp.concatenate(
            [jnp.zeros((k, BSZ), jnp.int32), arr[: N_LEN - k, t, :]], axis=0
        )
        cols.append(col)
    ids_e3 = jnp.stack(cols[::-1], axis=1)
    return jnp.where(ids_e3 >= VOCAB, 1, ids_e3)


def kernel(x, x_lengths, ngram_ids, z_per_z, l_per_z, emb_tables):
    ids_e3 = _build_ids_e3(ngram_ids)
    offs = (jnp.arange(LT - 1, -1, -1, dtype=jnp.int32) * VOCAB)[None, :, None]
    pair_idx = ((ids_e3 + offs) >> 1).reshape(NW, PW)

    table = emb_tables.reshape(LT * VOCAB // 2, 128)
    rows = _sc_gather(table, pair_idx).reshape(N_LEN, LT, BSZ, 128)

    emb_t = jnp.transpose(emb_tables, (0, 2, 1))
    plse = _lse_call(emb_t)
    plse_j = jnp.transpose(plse, (0, 2, 1))[::-1]

    lj = jnp.transpose(l_per_z, (1, 0))[::-1]
    lens = x_lengths.reshape(1, BSZ).astype(jnp.int32)

    out = _dp_call(rows, ids_e3, plse_j, z_per_z, lj, lens)
    return out.reshape(BSZ)

# --- scband reference (transcript-rebuilt; emitter-appended) ---
"""Pipeline reference for scband-hsmmmodel-69767448756747 (READ-ONLY COPY).

The authoritative reference and input builder live on the scoring server;
editing this copy changes nothing except your own understanding.
"""

import jax, jax.numpy as jnp
import numpy as np
from jax.scipy.special import logsumexp

NEG_INF = -1000000.0
C = 64            # vocab_size_z
MAX_LEN_Z = 11
MIN_LEN_Z = 1
INIT_STATE = 0
VOCAB_NGRAM = 100000
BSZ = 16
N_LEN = 128


def setup_inputs(seed: int = 0) -> dict:
    key = jax.random.key(seed)
    ks = jax.random.split(key, 6)
    x = jax.random.randint(ks[0], (BSZ, N_LEN), 0, 100)
    x_lengths = jax.random.randint(ks[1], (BSZ,), 0, 127)
    # ngram_ids[l] is the ngram-id tensor for segment length l (l in 1..11); index 0 unused
    ngram_ids = jax.random.randint(ks[2], (MAX_LEN_Z + 1, BSZ, N_LEN), 0, VOCAB_NGRAM)
    z_per_z = jax.random.normal(ks[3], (C, C), dtype=jnp.float32)
    l_per_z = jax.random.normal(ks[4], (C, MAX_LEN_Z - MIN_LEN_Z + 1), dtype=jnp.float32)
    # stacked per-length embedding tables emb1..emb11 (all same vocab size), xavier-ish scale
    emb_tables = jax.random.normal(ks[5], (MAX_LEN_Z, VOCAB_NGRAM, C), dtype=jnp.float32) * 0.01
    return {"x": x, "x_lengths": x_lengths, "ngram_ids": ngram_ids,
            "z_per_z": z_per_z, "l_per_z": l_per_z, "emb_tables": emb_tables}


def _forward(x, x_lengths, ngram_ids, z_per_z, l_per_z, emb_tables):
    z_log = jax.nn.log_softmax(z_per_z, axis=-1)
    l_pad = jnp.concatenate([jnp.full((C, MIN_LEN_Z), NEG_INF, dtype=l_per_z.dtype), l_per_z], axis=-1)
    l_log = jax.nn.log_softmax(l_pad, axis=-1)
    bsz, N = x.shape
    K = min(MAX_LEN_Z + 1, N)
    emission = jnp.zeros((bsz, N, K, C), dtype=jnp.float32)
    for l in range(MIN_LEN_Z, K):
        table = jax.nn.log_softmax(emb_tables[l - 1], axis=0)  # log_softmax over vocab dim
        ids = ngram_ids[l].reshape(-1)
        ids = jnp.where(ids >= table.shape[0], 1, ids)
        es = jnp.take(table, ids, axis=0)
        es = jnp.where((ids == 1)[:, None], NEG_INF, es)
        es = jnp.where((ids == 0)[:, None], 0.0, es)
        emission = emission.at[:, :, l, :].add(es.reshape(bsz, N, C))
    init_z_1 = jnp.full((C,), NEG_INF, dtype=jnp.float32).at[INIT_STATE].set(0.0)
    # semi-Markov forward DP (pytorch-struct _dp_standard semantics):
    # edge[b, n, k, c2, c1] = z_log[c1, c2] + l_log[c2, k] + emission[b, n, k, c2]
    beta = [jnp.broadcast_to(init_z_1, (bsz, C))]
    for n in range(1, N):
        terms = []
        for k in range(1, min(K, n + 1)):
            prev = beta[n - k]  # [bsz, C1]
            trans = logsumexp(prev[:, :, None] + z_log[None, :, :], axis=1)  # [bsz, C2]
            terms.append(trans + l_log[:, k][None, :] + emission[:, n - k, k, :])
        beta.append(logsumexp(jnp.stack(terms, axis=0), axis=0))
    betas = jnp.stack(beta, axis=0)  # [N, bsz, C]
    lengths = x_lengths + 1
    final = betas[lengths - 1, jnp.arange(bsz)]  # [bsz, C]
    return logsumexp(final, axis=-1)


def reference(x, x_lengths, ngram_ids, z_per_z, l_per_z, emb_tables):
    return _forward(x, x_lengths, ngram_ids, z_per_z, l_per_z, emb_tables)

if __name__ == "__main__":
    import jax
    _d = setup_inputs()
    print(jax.jit(kernel)(*tuple(_d.values())))

</pallas_src>

<mosaic_0001>
#map = affine_map<(d0, d1) -> (0, 0)>
#map1 = affine_map<(d0, d1) -> (0, 0, 0)>
module attributes {stable_mosaic.version = 14 : i64} {
  func.func @_sc_gather_body(%arg0: i32, %arg1: i32, %arg2: memref<550000x128xf32, #tpu.memory_space<hbm>>, %arg3: memref<32x704xi32, #tpu.memory_space<hbm>>, %arg4: memref<32x704x128xf32, #tpu.memory_space<hbm>>, %arg5: memref<704xi32, #tpu.memory_space<vmem>>, %arg6: memref<704x128xf32, #tpu.memory_space<vmem>>, %arg7: memref<!tpu.dma_semaphore, #tpu.memory_space<semaphore_mem>>) attributes {dimension_semantics = [#tpu.dimension_semantics<core_parallel>, #tpu.dimension_semantics<subcore_parallel>], iteration_bounds = array<i64: 2, 16>, scalar_prefetch = 0 : i64, scratch_operands = 3 : i64, tpu.core_type = #tpu.core_type<sc_vector_subcore>, window_params = [{transform_indices = #map}, {transform_indices = #map}, {transform_indices = #map1}]} {
    %mul3A = arith.constant 2 : i32
    %mul3A_0 = arith.muli %arg1, %mul3A : i32
    %add3A = arith.addi %mul3A_0, %arg0 : i32
    "tpu.region"() ({
      %run_scoped3A = tpu.sem_alloc : memref<!tpu.dma_semaphore, #tpu.memory_space<semaphore_mem>>
      %dma_start3A_95 = arith.constant 0 : i32
      %dma_start3A_96 = tpu.memref_slice %arg3[%add3A, %dma_start3A_95] : memref<32x704xi32, #tpu.memory_space<hbm>> -> memref<1x704xi32, #tpu.memory_space<hbm>>
      %dma_start3A_97 = tpu.memref_squeeze %dma_start3A_96 : memref<1x704xi32, #tpu.memory_space<hbm>> -> memref<704xi32, #tpu.memory_space<hbm>>
      %dma_start3A_98 = arith.constant 0 : i32
      %dma_start3A_99 = tpu.memref_slice %arg3[%add3A, %dma_start3A_98] : memref<32x704xi32, #tpu.memory_space<hbm>> -> memref<1x704xi32, #tpu.memory_space<hbm>>
      %dma_start3A_100 = tpu.memref_squeeze %dma_start3A_99 : memref<1x704xi32, #tpu.memory_space<hbm>> -> memref<704xi32, #tpu.memory_space<hbm>>
      tpu.enqueue_dma source(%dma_start3A_100 : memref<704xi32, #tpu.memory_space<hbm>>) target(%arg5 : memref<704xi32, #tpu.memory_space<vmem>>) target_semaphore(%run_scoped3A : memref<!tpu.dma_semaphore, #tpu.memory_space<semaphore_mem>>)
      %dma_wait3A_101 = arith.constant 0 : i32
      %dma_wait3A_102 = tpu.memref_slice %arg3[%add3A, %dma_wait3A_101] : memref<32x704xi32, #tpu.memory_space<hbm>> -> memref<1x704xi32, #tpu.memory_space<hbm>>
      %dma_wait3A_103 = tpu.memref_squeeze %dma_wait3A_102 : memref<1x704xi32, #tpu.memory_space<hbm>> -> memref<704xi32, #tpu.memory_space<hbm>>
      %dma_wait3A_104 = arith.constant 0 : i32
      %dma_wait3A_105 = tpu.memref_slice %arg3[%add3A, %dma_wait3A_104] : memref<32x704xi32, #tpu.memory_space<hbm>> -> memref<1x704xi32, #tpu.memory_space<hbm>>
      %dma_wait3A_106 = tpu.memref_squeeze %dma_wait3A_105 : memref<1x704xi32, #tpu.memory_space<hbm>> -> memref<704xi32, #tpu.memory_space<hbm>>
      tpu.wait_dma2 semaphore(%run_scoped3A : memref<!tpu.dma_semaphore, #tpu.memory_space<semaphore_mem>>) src(%dma_wait3A_106 : memref<704xi32, #tpu.memory_space<hbm>>) dst(%arg5 : memref<704xi32, #tpu.memory_space<vmem>>)
      tpu.yield
    }) : () -> ()
    %dma_start3A = arith.constant 0 : i32
    %dma_start3A_1 = arith.constant 0 : i32
    %dma_start3A_2 = tpu.memref_slice %arg6[%dma_start3A, %dma_start3A_1] : memref<704x128xf32, #tpu.memory_space<vmem>> -> memref<128x128xf32, #tpu.memory_space<vmem>>
    %dma_start3A_3 = arith.constant 0 : i32
    %dma_start3A_4 = tpu.memref_slice %arg5[%dma_start3A_3] : memref<704xi32, #tpu.memory_space<vmem>> -> memref<128xi32, #tpu.memory_space<vmem>>
    %dma_start3A_5 = arith.constant 0 : i32
    %dma_start3A_6 = arith.constant 0 : i32
    %dma_start3A_7 = tpu.memref_slice %arg2[%dma_start3A_5, %dma_start3A_6] : memref<550000x128xf32, #tpu.memory_space<hbm>> -> memref<550000x128xf32, #tpu.memory_space<hbm>>
    tpu.enqueue_indirect_dma source(%dma_start3A_7 : memref<550000x128xf32, #tpu.memory_space<hbm>>) target(%dma_start3A_2 : memref<128x128xf32, #tpu.memory_space<vmem>>) offsets(%dma_start3A_4 : memref<128xi32, #tpu.memory_space<vmem>>) semaphore(%arg7 : memref<!tpu.dma_semaphore, #tpu.memory_space<semaphore_mem>>)
    %dma_start3A_8 = arith.constant 128 : i32
    %dma_start3A_9 = arith.constant 0 : i32
    %dma_start3A_10 = tpu.memref_slice %arg6[%dma_start3A_8, %dma_start3A_9] : memref<704x128xf32, #tpu.memory_space<vmem>> -> memref<128x128xf32, #tpu.memory_space<vmem>>
    %dma_start3A_11 = arith.constant 128 : i32
    %dma_start3A_12 = tpu.memref_slice %arg5[%dma_start3A_11] : memref<704xi32, #tpu.memory_space<vmem>> -> memref<128xi32, #tpu.memory_space<vmem>>
    %dma_start3A_13 = arith.constant 0 : i32
    %dma_start3A_14 = arith.constant 0 : i32
    %dma_start3A_15 = tpu.memref_slice %arg2[%dma_start3A_13, %dma_start3A_14] : memref<550000x128xf32, #tpu.memory_space<hbm>> -> memref<550000x128xf32, #tpu.memory_space<hbm>>
    tpu.enqueue_indirect_dma source(%dma_start3A_15 : memref<550000x128xf32, #tpu.memory_space<hbm>>) target(%dma_start3A_10 : memref<128x128xf32, #tpu.memory_space<vmem>>) offsets(%dma_start3A_12 : memref<128xi32, #tpu.memory_space<vmem>>) semaphore(%arg7 : memref<!tpu.dma_semaphore, #tpu.memory_space<semaphore_mem>>)
    %dma_start3A_16 = arith.constant 256 : i32
    %dma_start3A_17 = arith.constant 0 : i32
    %dma_start3A_18 = tpu.memref_slice %arg6[%dma_start3A_16, %dma_start3A_17] : memref<704x128xf32, #tpu.memory_space<vmem>> -> memref<128x128xf32, #tpu.memory_space<vmem>>
    %dma_start3A_19 = arith.constant 256 : i32
    %dma_start3A_20 = tpu.memref_slice %arg5[%dma_start3A_19] : memref<704xi32, #tpu.memory_space<vmem>> -> memref<128xi32, #tpu.memory_space<vmem>>
    %dma_start3A_21 = arith.constant 0 : i32
    %dma_start3A_22 = arith.constant 0 : i32
    %dma_start3A_23 = tpu.memref_slice %arg2[%dma_start3A_21, %dma_start3A_22] : memref<550000x128xf32, #tpu.memory_space<hbm>> -> memref<550000x128xf32, #tpu.memory_space<hbm>>
    tpu.enqueue_indirect_dma source(%dma_start3A_23 : memref<550000x128xf32, #tpu.memory_space<hbm>>) target(%dma_start3A_18 : memref<128x128xf32, #tpu.memory_space<vmem>>) offsets(%dma_start3A_20 : memref<128xi32, #tpu.memory_space<vmem>>) semaphore(%arg7 : memref<!tpu.dma_semaphore, #tpu.memory_space<semaphore_mem>>)
    %dma_start3A_24 = arith.constant 384 : i32
    %dma_start3A_25 = arith.constant 0 : i32
    %dma_start3A_26 = tpu.memref_slice %arg6[%dma_start3A_24, %dma_start3A_25] : memref<704x128xf32, #tpu.memory_space<vmem>> -> memref<128x128xf32, #tpu.memory_space<vmem>>
    %dma_start3A_27 = arith.constant 384 : i32
    %dma_start3A_28 = tpu.memref_slice %arg5[%dma_start3A_27] : memref<704xi32, #tpu.memory_space<vmem>> -> memref<128xi32, #tpu.memory_space<vmem>>
    %dma_start3A_29 = arith.constant 0 : i32
    %dma_start3A_30 = arith.constant 0 : i32
    %dma_start3A_31 = tpu.memref_slice %arg2[%dma_start3A_29, %dma_start3A_30] : memref<550000x128xf32, #tpu.memory_space<hbm>> -> memref<550000x128xf32, #tpu.memory_space<hbm>>
    tpu.enqueue_indirect_dma source(%dma_start3A_31 : memref<550000x128xf32, #tpu.memory_space<hbm>>) target(%dma_start3A_26 : memref<128x128xf32, #tpu.memory_space<vmem>>) offsets(%dma_start3A_28 : memref<128xi32, #tpu.memory_space<vmem>>) semaphore(%arg7 : memref<!tpu.dma_semaphore, #tpu.memory_space<semaphore_mem>>)
    %dma_start3A_32 = arith.constant 512 : i32
    %dma_start3A_33 = arith.constant 0 : i32
    %dma_start3A_34 = tpu.memref_slice %arg6[%dma_start3A_32, %dma_start3A_33] : memref<704x128xf32, #tpu.memory_space<vmem>> -> memref<128x128xf32, #tpu.memory_space<vmem>>
    %dma_start3A_35 = arith.constant 512 : i32
    %dma_start3A_36 = tpu.memref_slice %arg5[%dma_start3A_35] : memref<704xi32, #tpu.memory_space<vmem>> -> memref<128xi32, #tpu.memory_space<vmem>>
    %dma_start3A_37 = arith.constant 0 : i32
    %dma_start3A_38 = arith.constant 0 : i32
    %dma_start3A_39 = tpu.memref_slice %arg2[%dma_start3A_37, %dma_start3A_38] : memref<550000x128xf32, #tpu.memory_space<hbm>> -> memref<550000x128xf32, #tpu.memory_space<hbm>>
    tpu.enqueue_indirect_dma source(%dma_start3A_39 : memref<550000x128xf32, #tpu.memory_space<hbm>>) target(%dma_start3A_34 : memref<128x128xf32, #tpu.memory_space<vmem>>) offsets(%dma_start3A_36 : memref<128xi32, #tpu.memory_space<vmem>>) semaphore(%arg7 : memref<!tpu.dma_semaphore, #tpu.memory_space<semaphore_mem>>)
    %dma_start3A_40 = arith.constant 640 : i32
    %dma_start3A_41 = arith.constant 0 : i32
    %dma_start3A_42 = tpu.memref_slice %arg6[%dma_start3A_40, %dma_start3A_41] : memref<704x128xf32, #tpu.memory_space<vmem>> -> memref<64x128xf32, #tpu.memory_space<vmem>>
    %dma_start3A_43 = arith.constant 640 : i32
    %dma_start3A_44 = tpu.memref_slice %arg5[%dma_start3A_43] : memref<704xi32, #tpu.memory_space<vmem>> -> memref<64xi32, #tpu.memory_space<vmem>>
    %dma_start3A_45 = arith.constant 0 : i32
    %dma_start3A_46 = arith.constant 0 : i32
    %dma_start3A_47 = tpu.memref_slice %arg2[%dma_start3A_45, %dma_start3A_46] : memref<550000x128xf32, #tpu.memory_space<hbm>> -> memref<550000x128xf32, #tpu.memory_space<hbm>>
    tpu.enqueue_indirect_dma source(%dma_start3A_47 : memref<550000x128xf32, #tpu.memory_space<hbm>>) target(%dma_start3A_42 : memref<64x128xf32, #tpu.memory_space<vmem>>) offsets(%dma_start3A_44 : memref<64xi32, #tpu.memory_space<vmem>>) semaphore(%arg7 : memref<!tpu.dma_semaphore, #tpu.memory_space<semaphore_mem>>)
    %dma_wait3A = arith.constant 0 : i32
    %dma_wait3A_48 = arith.constant 0 : i32
    %dma_wait3A_49 = tpu.memref_slice %arg6[%dma_wait3A, %dma_wait3A_48] : memref<704x128xf32, #tpu.memory_space<vmem>> -> memref<128x128xf32, #tpu.memory_space<vmem>>
    %dma_wait3A_50 = arith.constant 0 : i32
    %dma_wait3A_51 = tpu.memref_slice %arg5[%dma_wait3A_50] : memref<704xi32, #tpu.memory_space<vmem>> -> memref<128xi32, #tpu.memory_space<vmem>>
    %dma_wait3A_52 = arith.constant 0 : i32
    %dma_wait3A_53 = arith.constant 0 : i32
    %dma_wait3A_54 = tpu.memref_slice %arg2[%dma_wait3A_52, %dma_wait3A_53] : memref<550000x128xf32, #tpu.memory_space<hbm>> -> memref<550000x128xf32, #tpu.memory_space<hbm>>
    tpu.wait_indirect_dma semaphore(%arg7 : memref<!tpu.dma_semaphore, #tpu.memory_space<semaphore_mem>>) src(%dma_wait3A_54 : memref<550000x128xf32, #tpu.memory_space<hbm>>) dst(%dma_wait3A_49 : memref<128x128xf32, #tpu.memory_space<vmem>>)
    %dma_wait3A_55 = arith.constant 128 : i32
    %dma_wait3A_56 = arith.constant 0 : i32
    %dma_wait3A_57 = tpu.memref_slice %arg6[%dma_wait3A_55, %dma_wait3A_56] : memref<704x128xf32, #tpu.memory_space<vmem>> -> memref<128x128xf32, #tpu.memory_space<vmem>>
    %dma_wait3A_58 = arith.constant 128 : i32
    %dma_wait3A_59 = tpu.memref_slice %arg5[%dma_wait3A_58] : memref<704xi32, #tpu.memory_space<vmem>> -> memref<128xi32, #tpu.memory_space<vmem>>
    %dma_wait3A_60 = arith.constant 0 : i32
    %dma_wait3A_61 = arith.constant 0 : i32
    %dma_wait3A_62 = tpu.memref_slice %arg2[%dma_wait3A_60, %dma_wait3A_61] : memref<550000x128xf32, #tpu.memory_space<hbm>> -> memref<550000x128xf32, #tpu.memory_space<hbm>>
    tpu.wait_indirect_dma semaphore(%arg7 : memref<!tpu.dma_semaphore, #tpu.memory_space<semaphore_mem>>) src(%dma_wait3A_62 : memref<550000x128xf32, #tpu.memory_space<hbm>>) dst(%dma_wait3A_57 : memref<128x128xf32, #tpu.memory_space<vmem>>)
    %dma_wait3A_63 = arith.constant 256 : i32
    %dma_wait3A_64 = arith.constant 0 : i32
    %dma_wait3A_65 = tpu.memref_slice %arg6[%dma_wait3A_63, %dma_wait3A_64] : memref<704x128xf32, #tpu.memory_space<vmem>> -> memref<128x128xf32, #tpu.memory_space<vmem>>
    %dma_wait3A_66 = arith.constant 256 : i32
    %dma_wait3A_67 = tpu.memref_slice %arg5[%dma_wait3A_66] : memref<704xi32, #tpu.memory_space<vmem>> -> memref<128xi32, #tpu.memory_space<vmem>>
    %dma_wait3A_68 = arith.constant 0 : i32
    %dma_wait3A_69 = arith.constant 0 : i32
    %dma_wait3A_70 = tpu.memref_slice %arg2[%dma_wait3A_68, %dma_wait3A_69] : memref<550000x128xf32, #tpu.memory_space<hbm>> -> memref<550000x128xf32, #tpu.memory_space<hbm>>
    tpu.wait_indirect_dma semaphore(%arg7 : memref<!tpu.dma_semaphore, #tpu.memory_space<semaphore_mem>>) src(%dma_wait3A_70 : memref<550000x128xf32, #tpu.memory_space<hbm>>) dst(%dma_wait3A_65 : memref<128x128xf32, #tpu.memory_space<vmem>>)
    %dma_wait3A_71 = arith.constant 384 : i32
    %dma_wait3A_72 = arith.constant 0 : i32
    %dma_wait3A_73 = tpu.memref_slice %arg6[%dma_wait3A_71, %dma_wait3A_72] : memref<704x128xf32, #tpu.memory_space<vmem>> -> memref<128x128xf32, #tpu.memory_space<vmem>>
    %dma_wait3A_74 = arith.constant 384 : i32
    %dma_wait3A_75 = tpu.memref_slice %arg5[%dma_wait3A_74] : memref<704xi32, #tpu.memory_space<vmem>> -> memref<128xi32, #tpu.memory_space<vmem>>
    %dma_wait3A_76 = arith.constant 0 : i32
    %dma_wait3A_77 = arith.constant 0 : i32
    %dma_wait3A_78 = tpu.memref_slice %arg2[%dma_wait3A_76, %dma_wait3A_77] : memref<550000x128xf32, #tpu.memory_space<hbm>> -> memref<550000x128xf32, #tpu.memory_space<hbm>>
    tpu.wait_indirect_dma semaphore(%arg7 : memref<!tpu.dma_semaphore, #tpu.memory_space<semaphore_mem>>) src(%dma_wait3A_78 : memref<550000x128xf32, #tpu.memory_space<hbm>>) dst(%dma_wait3A_73 : memref<128x128xf32, #tpu.memory_space<vmem>>)
    %dma_wait3A_79 = arith.constant 512 : i32
    %dma_wait3A_80 = arith.constant 0 : i32
    %dma_wait3A_81 = tpu.memref_slice %arg6[%dma_wait3A_79, %dma_wait3A_80] : memref<704x128xf32, #tpu.memory_space<vmem>> -> memref<128x128xf32, #tpu.memory_space<vmem>>
    %dma_wait3A_82 = arith.constant 512 : i32
    %dma_wait3A_83 = tpu.memref_slice %arg5[%dma_wait3A_82] : memref<704xi32, #tpu.memory_space<vmem>> -> memref<128xi32, #tpu.memory_space<vmem>>
    %dma_wait3A_84 = arith.constant 0 : i32
    %dma_wait3A_85 = arith.constant 0 : i32
    %dma_wait3A_86 = tpu.memref_slice %arg2[%dma_wait3A_84, %dma_wait3A_85] : memref<550000x128xf32, #tpu.memory_space<hbm>> -> memref<550000x128xf32, #tpu.memory_space<hbm>>
    tpu.wait_indirect_dma semaphore(%arg7 : memref<!tpu.dma_semaphore, #tpu.memory_space<semaphore_mem>>) src(%dma_wait3A_86 : memref<550000x128xf32, #tpu.memory_space<hbm>>) dst(%dma_wait3A_81 : memref<128x128xf32, #tpu.memory_space<vmem>>)
    %dma_wait3A_87 = arith.constant 640 : i32
    %dma_wait3A_88 = arith.constant 0 : i32
    %dma_wait3A_89 = tpu.memref_slice %arg6[%dma_wait3A_87, %dma_wait3A_88] : memref<704x128xf32, #tpu.memory_space<vmem>> -> memref<64x128xf32, #tpu.memory_space<vmem>>
    %dma_wait3A_90 = arith.constant 640 : i32
    %dma_wait3A_91 = tpu.memref_slice %arg5[%dma_wait3A_90] : memref<704xi32, #tpu.memory_space<vmem>> -> memref<64xi32, #tpu.memory_space<vmem>>
    %dma_wait3A_92 = arith.constant 0 : i32
    %dma_wait3A_93 = arith.constant 0 : i32
    %dma_wait3A_94 = tpu.memref_slice %arg2[%dma_wait3A_92, %dma_wait3A_93] : memref<550000x128xf32, #tpu.memory_space<hbm>> -> memref<550000x128xf32, #tpu.memory_space<hbm>>
    tpu.wait_indirect_dma semaphore(%arg7 : memref<!tpu.dma_semaphore, #tpu.memory_space<semaphore_mem>>) src(%dma_wait3A_94 : memref<550000x128xf32, #tpu.memory_space<hbm>>) dst(%dma_wait3A_89 : memref<64x128xf32, #tpu.memory_space<vmem>>)
    "tpu.region"() ({
      %run_scoped3A = tpu.sem_alloc : memref<!tpu.dma_semaphore, #tpu.memory_space<semaphore_mem>>
      %dma_start3A_95 = arith.constant 0 : i32
      %dma_start3A_96 = arith.constant 0 : i32
      %dma_start3A_97 = tpu.memref_slice %arg4[%add3A, %dma_start3A_95, %dma_start3A_96] : memref<32x704x128xf32, #tpu.memory_space<hbm>> -> memref<1x704x128xf32, #tpu.memory_space<hbm>>
      %dma_start3A_98 = tpu.memref_squeeze %dma_start3A_97 : memref<1x704x128xf32, #tpu.memory_space<hbm>> -> memref<704x128xf32, #tpu.memory_space<hbm>>
      %dma_start3A_99 = arith.constant 0 : i32
      %dma_start3A_100 = arith.constant 0 : i32
      %dma_start3A_101 = tpu.memref_slice %arg4[%add3A, %dma_start3A_99, %dma_start3A_100] : memref<32x704x128xf32, #tpu.memory_space<hbm>> -> memref<1x704x128xf32, #tpu.memory_space<hbm>>
      %dma_start3A_102 = tpu.memref_squeeze %dma_start3A_101 : memref<1x704x128xf32, #tpu.memory_space<hbm>> -> memref<704x128xf32, #tpu.memory_space<hbm>>
      tpu.enqueue_dma source(%arg6 : memref<704x128xf32, #tpu.memory_space<vmem>>) target(%dma_start3A_102 : memref<704x128xf32, #tpu.memory_space<hbm>>) target_semaphore(%run_scoped3A : memref<!tpu.dma_semaphore, #tpu.memory_space<semaphore_mem>>)
      %dma_wait3A_103 = arith.constant 0 : i32
      %dma_wait3A_104 = arith.constant 0 : i32
      %dma_wait3A_105 = tpu.memref_slice %arg4[%add3A, %dma_wait3A_103, %dma_wait3A_104] : memref<32x704x128xf32, #tpu.memory_space<hbm>> -> memref<1x704x128xf32, #tpu.memory_space<hbm>>
      %dma_wait3A_106 = tpu.memref_squeeze %dma_wait3A_105 : memref<1x704x128xf32, #tpu.memory_space<hbm>> -> memref<704x128xf32, #tpu.memory_space<hbm>>
      %dma_wait3A_107 = arith.constant 0 : i32
      %dma_wait3A_108 = arith.constant 0 : i32
      %dma_wait3A_109 = tpu.memref_slice %arg4[%add3A, %dma_wait3A_107, %dma_wait3A_108] : memref<32x704x128xf32, #tpu.memory_space<hbm>> -> memref<1x704x128xf32, #tpu.memory_space<hbm>>
      %dma_wait3A_110 = tpu.memref_squeeze %dma_wait3A_109 : memref<1x704x128xf32, #tpu.memory_space<hbm>> -> memref<704x128xf32, #tpu.memory_space<hbm>>
      tpu.wait_dma2 semaphore(%run_scoped3A : memref<!tpu.dma_semaphore, #tpu.memory_space<semaphore_mem>>) src(%arg6 : memref<704x128xf32, #tpu.memory_space<vmem>>) dst(%dma_wait3A_110 : memref<704x128xf32, #tpu.memory_space<hbm>>)
      tpu.yield
    }) : () -> ()
    return
  }
}

</mosaic_0001>

<sc_bundles>
// kernel: _sc_gather.3.cloned.1.call-start
scs
__scs_entry_jumppad:
0x0: {  	(pc) =	sbr.rel $0x88, $3  }
0x1: {  	(tag) =	ssettag $0x0;
	lr =	simm.s32 $0x1  }
0x2: {  	[smem:$0x3F9F] =	sst lr;
	_ =	strace $0xD0000000  }
0x3: {  	_ = 	snop  }
0x4: {  	_ = 	snop  }
0x5: {  	_ = 	snop  }
0x6: {  	_ = 	snop  }
0x7: {  	_ = 	snop  }
__scs_overlays_trampoline_lowered:
0x8: {  	[smem:$0x3FAE] =	sst s0  }
0x9: {  	[smem:$0x3FAF] =	sst s1  }
0xa: {  	[smem:$0x3FB0] =	sst s2  }
0xb: {  	[smem:$0x3FB1] =	sst s3  }
0xc: {  	[smem:$0x3FB2] =	sst s4  }
0xd: {  	[smem:$0x3FB3] =	sst s5  }
0xe: {  	[smem:$0x3FB4] =	sst s6  }
0xf: {  	[smem:$0x3FB5] =	sst s7  }
0x10: {  	[smem:$0x3FB6] =	sst s8  }
0x11: {  	[smem:$0x3FB7] =	sst s9;
	s0 =	simm.s32 @!p0 $0x0  }
0x12: {  	s1 =	sld [smem:$0x3F9D];
	s0 =	simm.s32 @p0 $0x1  }
0x13: {  	[smem:$0x3FB8] =	sst s0;
	s0 =	simm.s32 @!p1 $0x0  }
0x14: {  	s2 =	sld [smem:$0x3F9C];
	s0 =	simm.s32 @p1 $0x1  }
0x15: {  	[smem:$0x3FB9] =	sst s0;
	s0 =	simm.s32 @!p2 $0x0  }
0x16: {  	s3 =	sld [smem:$0x3FDB];
	s0 =	simm.s32 @p2 $0x1  }
0x17: {  	s4 =	simm.s32 $0x1BF5;
	[smem:$0x3FBB] =	sst s0  }
0x18: {  	s0 =	sld [smem:$0x3F9E];
	_ =	swait.ge [sflag:s4], $0x0  }
0x19: {  	s7 =	sld [smem:$0x3F9F]  }
0x1a: {  	s8 =	sadd.s32 $0xFFFFE003, lr  }
0x1b: {  	s9 =	sadd.s32 $0xFFFFFEF7, lr;
	s5 =	simm.s32 $0xFFFFFFFF;
	p2 =	slt.u32 s8, $0xFFFFF086  }
0x1c: {  	p1 =	slt.u32 s9, $0xF7A;
	s5 =	simm.s32 @!p2 $0x0  }
0x1d: {  	s5 =	simm.s32 @p1 $0x1;
	p0 =	seq.s32 s7, s2  }
0x1e: {  	s7 =	smul.u32 @!p0 $0xF7A, s2;
	p2 =	seq.s32 @!p0 s5, $0x0  }
0x1f: {  	s9 =	smul.u32 $0xF7A, s1;
	s8 =	simm.s32 @!p0 $0x1BF5;
	p2 =	por !p2, p0  }
0x20: {  	[sflag:s8] =	ssyncset.s32 @!p0 $0xFFFFF086;
	s6 =	sadd.s32 @!p0 s3, s7;
	s7 =	simm.s32 @!p0 $0x108  }
0x21: {  	s3 =	sadd.s32 s3, s9;
	s6 =	sadd.s32 @!p0 $0x88, s6;
	s7 =	simm.s32 @p2 $0x1082  }
0x22: {  	[simem:s7], [sflag:s8] =	dma.local @!p0 [hbm:s6], $0xF7A  }
0x23: {  	s9 =	sor.u32 $0xD0000000, s2;
	s6 =	simm.s32 $0x108;
	_ =	swait.ge @!p0 [sflag:s8], $0x0  }
0x24: {  	s3 =	sadd.s32 $0x88, s3;
	s6 =	simm.s32 @!p1 $0x1082;
	[sflag:s4] =	ssyncset.s32 $0xFFFFF086  }
0x25: {  	[simem:s6], [sflag:s4] =	dma.local [hbm:s3], $0xF7A  }
0x26: {  	[smem:$0x3F9F] =	sst s1;
	(tag) =	ssettag s2;
	_ =	strace s9  }
0x27: {  	s1 =	sld [smem:$0x3FAF]  }
0x28: {  	s2 =	sld [smem:$0x3FB0]  }
0x29: {  	s4 =	sld [smem:$0x3FB2]  }
0x2a: {  	p0 =	seq.s32 s5, $0x0;
	s5 =	sld [smem:$0x3FB3]  }
0x2b: {  	s6 =	sld [smem:$0x3FB4]  }
0x2c: {  	s7 =	sld [smem:$0x3FB5]  }
0x2d: {  	s3 =	simm.s32 $0x108;
	s8 =	sld [smem:$0x3FB6]  }
0x2e: {  	s3 =	simm.s32 @!p0 $0x1082;
	s9 =	sld [smem:$0x3FB7]  }
0x2f: {  	lr =	sadd.s32 s0, s3;
	s0 =	sld [smem:$0x3FAE]  }
0x30: {  	s3 =	sld [smem:$0x3FB1]  }
0x31: {  	[smem:$0x3FBA] =	sst s10  }
0x32: {  	s10 =	sld [smem:$0x3FB8];
	_ =	sdelay $0x3  }
0x33: {  	p0 =	seq.s32 s10, $0x1;
	s10 =	sld [smem:$0x3FBA];
	_ =	sdelay $0x3  }
0x34: {  	[smem:$0x3FBA] =	sst s10  }
0x35: {  	s10 =	sld [smem:$0x3FB9];
	_ =	sdelay $0x3  }
0x36: {  	p1 =	seq.s32 s10, $0x1;
	s10 =	sld [smem:$0x3FBA];
	_ =	sdelay $0x3  }
0x37: {  	[smem:$0x3FBA] =	sst s10  }
0x38: {  	s10 =	sld [smem:$0x3FBB]  }
0x39: {  	_ = 	snop;
	(pc) =	sbr.ind lr, $3  }
0x3a: {  	_ = 	snop  }
0x3b: {  	_ = 	snop  }
0x3c: {  	p2 =	seq.s32 s10, $0x1;
	s10 =	sld [smem:$0x3FBA]  }
0x3d: {  	_ =	shalt  }
0x3e: {  	_ =	shalt  }
0x3f: {  	_ =	shalt  }
0x40: {  	_ =	shalt  }
0x41: {  	_ =	shalt  }
0x42: {  	_ =	shalt  }
0x43: {  	_ =	shalt  }
0x44: {  	_ =	shalt  }
0x45: {  	_ =	shalt  }
0x46: {  	_ =	shalt  }
0x47: {  	_ =	shalt  }
0x48: {  	_ =	shalt  }
0x49: {  	_ =	shalt  }
0x4a: {  	_ =	shalt  }
0x4b: {  	_ =	shalt  }
0x4c: {  	_ =	shalt  }
0x4d: {  	_ =	shalt  }
0x4e: {  	_ =	shalt  }
0x4f: {  	_ =	shalt  }
0x50: {  	_ =	shalt  }
0x51: {  	_ =	shalt  }
0x52: {  	_ =	shalt  }
0x53: {  	_ =	shalt  }
0x54: {  	_ =	shalt  }
0x55: {  	_ =	shalt  }
0x56: {  	_ =	shalt  }
0x57: {  	_ =	shalt  }
0x58: {  	_ =	shalt  }
0x59: {  	_ =	shalt  }
0x5a: {  	_ =	shalt  }
0x5b: {  	_ =	shalt  }
0x5c: {  	_ =	shalt  }
0x5d: {  	_ =	shalt  }
0x5e: {  	_ =	shalt  }
0x5f: {  	_ =	shalt  }
0x60: {  	_ =	shalt  }
0x61: {  	_ =	shalt  }
0x62: {  	_ =	shalt  }
0x63: {  	_ =	shalt  }
0x64: {  	_ =	shalt  }
0x65: {  	_ =	shalt  }
0x66: {  	_ =	shalt  }
0x67: {  	_ =	shalt  }
0x68: {  	_ =	shalt  }
0x69: {  	_ =	shalt  }
0x6a: {  	_ =	shalt  }
0x6b: {  	_ =	shalt  }
0x6c: {  	_ =	shalt  }
0x6d: {  	_ =	shalt  }
0x6e: {  	_ =	shalt  }
0x6f: {  	_ =	shalt  }
0x70: {  	_ =	shalt  }
0x71: {  	_ =	shalt  }
0x72: {  	_ =	shalt  }
0x73: {  	_ =	shalt  }
0x74: {  	_ =	shalt  }
0x75: {  	_ =	shalt  }
0x76: {  	_ =	shalt  }
0x77: {  	_ =	shalt  }
0x78: {  	_ =	shalt  }
0x79: {  	_ =	shalt  }
0x7a: {  	_ =	shalt  }
0x7b: {  	_ =	shalt  }
0x7c: {  	_ =	shalt  }
0x7d: {  	_ =	shalt  }
0x7e: {  	_ =	shalt  }
0x7f: {  	_ =	shalt  }
0x80: {  	_ =	shalt  }
0x81: {  	_ =	shalt  }
0x82: {  	_ =	shalt  }
0x83: {  	_ =	shalt  }
0x84: {  	_ =	shalt  }
0x85: {  	_ =	shalt  }
0x86: {  	_ =	shalt  }
0x87: {  	_ =	shalt  }
.Lfunc_end0:
.L_simem_size_0:
called_computation_lowered:
.L_overlay_start_0:
0x88: {  	s2 =	sld [smem:$0x3FD9]  }
0x89: {  	s3 =	sld [smem:$0x3FFE];
	_ =	sdelay $0x1  }
0x8a: {  	s1 =	srdreg.scid  }
0x8b: {  	s0 =	sand.u32 $0x1, s1  }
0x8c: {  	s18 =	sshll.u32 s0, $0xA;
	s2 =	sadd.s32 s3, s2  }
0x8d: {  	s2 =	sadd.s32 s2, s18  }
0x8e: {  	[smem:$0x3FC6] =	sst s2  }
0x8f: {  	_ = 	snop  }
0x90: {  	s2 =	sld [smem:$0x3FC9]  }
0x91: {  	s19 =	sld [smem:$0x3FC8]  }
0x92: {  	s4 =	sld [smem:$0x3FD0];
	(tm) =	ssettm $0x1  }
0x93: {  	s5 =	sld [smem:$0x3FFB];
	_ =	sdelay $0x3  }
0x94: {  	_ =	strace s5  }
0x95: {  	s5 =	sld [smem:$0x3FFC];
	_ =	sdelay $0x3  }
0x96: {  	_ =	strace s5  }
0x97: {  	s5 =	sld [smem:$0x3FFD];
	_ =	sdelay $0x3  }
0x98: {  	_ =	strace s5  }
0x99: {  	_ =	strace $0x8FFFFFFF  }
0x9a: {  	s20 =	sld [smem:$0x3FDB];
	_ =	sdelay $0x1  }
0x9b: {  	s6 =	simm.s32 $_scs_section_size  }
0x9c: {  	s7 =	simm.s32 $_size__tile_overlayer_lowered;
	s8 =	simm.s32 $_tile_overlayer_lowered  }
0x9d: {  	s23 =	simm.s32 $0x1BFF;
	s22 =	sshll.u32 s8, $0x1;
	s5 =	sadd.s32 s6, s20  }
0x9e: {  	s9 =	simm.s32 $0x0;
	s21 =	sshll.u32 s7, $0x1;
	s7 =	sadd.s32 s22, s5  }
0x9f: {  	[timem:s9], [sflag:s23] =	dma.local [hbm:s7], s21  }
0xa0: {  	_ =	swait.ge [sflag:s23], s21  }
0xa1: {  	s6 =	ssub.s32 $0x0, s21;
	[sflag:s23] =	ssyncset.done $0x0  }
0xa2: {  	[sflag:s23] =	ssyncadd.s32 s6;
	_ =	sdelay $0x1  }
0xa3: {  	s24 =	simm.s32 $0x1B8B  }
0xa4: {  	_ =	swait.ge [sflag:s24], $0x1  }
0xa5: {  	[sflag:s24] =	ssyncset.done $0x0  }
0xa6: {  	s25 =	simm.s32 $0x1B8E;
	[sflag:s24] =	ssyncadd.s32 $0xFFFFFFFF  }
0xa7: {  	s26 =	simm.s32 $execute0_lowered;
	[smem:$0x3FD2] =	sst s25  }
0xa8: {  	s6 =	sshll.u32 s26, $0x1;
	_ =	strace $0x80000046;
	[dreg:$0x1] =	wrdreg $0xFFFFFFFF  }
0xa9: {  	s28 =	simm.s32 $_size_execute0_lowered;
	s5 =	sadd.s32 s5, s6;
	[dreg:$0x0] =	wrdreg $0x0  }
0xaa: {  	s6 =	sshll.u32 s28, $0x1;
	[dreg:$0x2] =	wrdreg s5  }
0xab: {  	[dreg:$0x3] =	wrdreg s6  }
0xac: {  	[dreg:$0x4] =	wrdreg $0xC0  }
0xad: {  	_ =	task [dreg:s9], $0x5FFFF  }
0xae: {  	[dreg:$0x1] =	wrdreg $0xFFFFFFFF  }
0xaf: {  	[dreg:$0x0] =	wrdreg $0x60  }
0xb0: {  	[dreg:$0x2] =	wrdreg s2  }
0xb1: {  	[dreg:$0x3] =	wrdreg s19  }
0xb2: {  	[dreg:$0x4] =	wrdreg s4  }
0xb3: {  	[dreg:$0x5] =	wrdreg $0x9  }
0xb4: {  	_ =	task.clear_ibuf [dreg:s9], $0x6FFFF;
	_ =	strace $0x90000046  }
0xb5: {  	s29 =	simm.s32 $0x9;
	_ =	strace $0x80000048  }
0xb6: {  	_ =	swait.ge [sflag:s29], $0x1  }
0xb7: {  	[sflag:s29] =	ssyncadd.s32 $0xFFFFFFFF  }
0xb8: {  	_ =	strace $0x90000048  }
0xb9: {  	_ =	sfence  }
0xba: {  	s30 =	sld [smem:$0x0];
	_ =	sdelay $0x2  }
0xbb: {  	s31 =	sshll.u32 s1, $0xD;
	s1 =	sshrl.u32 s1, $0x2  }
0xbc: {  	s3 =	sand.u32 $0x4000, s31;
	s1 =	sadd.s32 s1, s30  }
0xbd: {  	s0 =	sor.u32 s3, s0;
	s1 =	sshll.u32 s1, $0x11  }
0xbe: {  	s0 =	sor.u32 s1, s0  }
0xbf: {  	s0 =	sadd.s32 $0x8F2B, s0  }
0xc0: {  	[sflag:s0] =	ssyncadd.remote.s32 $0x1  }
0xc1: {  	_ =	sfence.sel $0xFFFF  }
0xc2: {  	[dreg:$0x0] =	wrdreg $0xFFFFFFFF;
	(pc) =	sbr.abs _section_cstart, $3  }
0xc3: {  	[dreg:$0x1] =	wrdreg $0xFFFFFFFF  }
0xc4: {  	_ =	task.clear_ibuf [dreg:s9], $0x2FFFF;
	_ =	strace $0x9FFFFFFF  }
0xc5: {  	(tm) =	ssettm $0x7FFFFFFF  }
tec
execute0_lowered:
.L_overlay_start_1:
0x0: {  	(tag) =	ssettag $0x1  }
0x1: {  	s1 =	srdreg.scid;
	s0 =	stileid.u32  }
0x2: {  	s20 =	sand.u32 $0x1, s1;
	s2 =	sshll.u32 s0, $0x1  }
0x3: {  	s4 =	rddreg [dreg:$0x1];
	s29 =	sshrl.u32 s0, $0x2;
	s21 =	sor.u32 s20, s2  }
0x4: {  	s22 =	rddreg [dreg:$0x2];
	s5 =	smul.u32 $0x1800, s29;
	s30 =	sshll.u32 s21, $0x7  }
0x5: {  	s3 =	simm.s32 $0x0;
	s1 =	rddreg [dreg:$0x0];
	s6 =	sand.u32 $0x380, s30  }
0x6: {  	s7 =	simm.s32 $0x400;
	[smem:$0x7FF] =	sst s3;
	s5 =	sor.u32 s5, s6  }
0x7: {  	s2 =	rddreg [dreg:$0x3];
	_ =	strace $0x80000047;
	s5 =	sshrl.u32 s5, $0x3  }
0x8: {  	s6 =	simm.s32 $0x2;
	s4 =	sadd.s32 s4, s5;
	s5 =	simm.s32 $0x80  }
0x9: {  	[tilespmem:s3], [sflag:$0x2] =	stream.strided.gather [hbm4b:s4+s5], $0x300, s7, s5, $0x38;
	[tilespmem:$0x16300] =	vst v63  }
0xa: {  	_ =	swait.ge [sflag:s6], $0x300  }
0xb: {  	[sflag:s6] =	ssyncset.done $0x0  }
0xc: {  	s8 =	simm.s32 $0x300;
	[sflag:s6] =	ssyncadd.s32 $0xFFFFFD00  }
0xd: {  	[tilespmem:s8], [sflag:$0x1] =	stream.indirect.gather [hbm4b:s1+s5], $0x80, s3, s5, $0xb8;
	[tilespmem:$0x16300] =	vst v63  }
0xe: {  	s9 =	simm.s32 $0x4300  }
0xf: {  	[tilespmem:s9], [sflag:$0x1] =	stream.indirect.gather [hbm4b:s1+s5], $0x80, s5, s5, $0xb8;
	[tilespmem:$0x16300] =	vst v63  }
0x10: {  	s10 =	simm.s32 $0x100;
	s11 =	simm.s32 $0x8300  }
0x11: {  	[tilespmem:s11], [sflag:$0x1] =	stream.indirect.gather [hbm4b:s1+s5], $0x80, s10, s5, $0xb8;
	[tilespmem:$0x16300] =	vst v63  }
0x12: {  	s12 =	simm.s32 $0x180;
	s13 =	simm.s32 $0xC300  }
0x13: {  	[tilespmem:s13], [sflag:$0x1] =	stream.indirect.gather [hbm4b:s1+s5], $0x80, s12, s5, $0xb8;
	[tilespmem:$0x16300] =	vst v63  }
0x14: {  	s14 =	simm.s32 $0x200;
	s15 =	simm.s32 $0x10300;
	s16 =	simm.s32 $0x40  }
0x15: {  	[tilespmem:s15], [sflag:$0x1] =	stream.indirect.gather [hbm4b:s1+s5], $0x80, s14, s5, $0xb8;
	[tilespmem:$0x16300] =	vst v63  }
0x16: {  	s17 =	simm.s32 $0x280;
	s18 =	simm.s32 $0x14300;
	s19 =	simm.s32 $0x1  }
0x17: {  	[tilespmem:s18], [sflag:$0x1] =	stream.indirect.gather [hbm4b:s1+s16], $0x80, s17, s16, $0xb8;
	[tilespmem:$0x16300] =	vst v63  }
0x18: {  	_ =	swait.ge [sflag:s19], $0x4000  }
0x19: {  	[sflag:s19] =	ssyncset.done $0x0  }
0x1a: {  	[sflag:s19] =	ssyncadd.s32 $0xFFFFC000  }
0x1b: {  	_ =	swait.ge [sflag:s19], $0x4000  }
0x1c: {  	[sflag:s19] =	ssyncset.done $0x0  }
0x1d: {  	[sflag:s19] =	ssyncadd.s32 $0xFFFFC000  }
0x1e: {  	_ =	swait.ge [sflag:s19], $0x4000  }
0x1f: {  	[sflag:s19] =	ssyncset.done $0x0  }
0x20: {  	[sflag:s19] =	ssyncadd.s32 $0xFFFFC000  }
0x21: {  	_ =	swait.ge [sflag:s19], $0x4000  }
0x22: {  	[sflag:s19] =	ssyncset.done $0x0  }
0x23: {  	s20 =	ssub.s32 $0x2, s20;
	[sflag:s19] =	ssyncadd.s32 $0xFFFFC000  }
0x24: {  	s23 =	sshrl.u32 s20, $0x1;
	_ =	swait.ge [sflag:s19], $0x4000  }
0x25: {  	s23 =	ssub.s32 s20, s23;
	[sflag:s19] =	ssyncset.done $0x0  }
0x26: {  	s31 =	smax.u32 s23, $0x1;
	[sflag:s19] =	ssyncadd.s32 $0xFFFFC000  }
0x27: {  	s21 =	smul.u32 $0x2C00, s21;
	p0 =	sne.s32 s31, $0x1;
	_ =	swait.ge [sflag:s19], $0x2000  }
.Ltmp0:
0x28: {  	[sflag:s19] =	ssyncset.done $0x0;
	(pc) =	sbr.rel @!p0 .LBB2_2-.Ltmp0, $4  }
0x29: {  	s20 =	sadd.s32 s22, s21;
	[sflag:s19] =	ssyncadd.s32 $0xFFFFE000  }
0x2a: {  	[hbm4b:s20+s3] =	stream.linear.scatter [tilespmem:s8], [sflag:$0x2], $0x16000, $0x38;
	[tilespmem:$0x16300] =	vst v63  }
0x2b: {  	_ =	swait.ge [sflag:s6], $0x16000  }
0x2c: {  	s21 =	sadd.s32 $0xFFFFFFFF, s31;
	[sflag:s6] =	ssyncset.done $0x0  }
.LBB2_1:
0x2d: {  	p0 =	sne.s32 s21, $0x1;
	s21 =	sadd.s32 $0xFFFFFFFF, s21;
	[sflag:s6] =	ssyncadd.s32 $0xFFFEA000  }
0x2e: {  	[tilespmem:s3], [sflag:$0x2] =	stream.strided.gather [hbm4b:s4+s5], $0x300, s7, s5, $0x38;
	[tilespmem:$0x16300] =	vst v63  }
0x2f: {  	_ =	swait.ge [sflag:s6], $0x300  }
0x30: {  	[sflag:s6] =	ssyncset.done $0x0  }
0x31: {  	[sflag:s6] =	ssyncadd.s32 $0xFFFFFD00  }
0x32: {  	[tilespmem:s8], [sflag:$0x1] =	stream.indirect.gather [hbm4b:s1+s5], $0x80, s3, s5, $0xb8;
	[tilespmem:$0x16300] =	vst v63  }
0x33: {  	_ = 	snop  }
0x34: {  	[tilespmem:s9], [sflag:$0x1] =	stream.indirect.gather [hbm4b:s1+s5], $0x80, s5, s5, $0xb8;
	[tilespmem:$0x16300] =	vst v63  }
0x35: {  	_ = 	snop  }
0x36: {  	[tilespmem:s11], [sflag:$0x1] =	stream.indirect.gather [hbm4b:s1+s5], $0x80, s10, s5, $0xb8;
	[tilespmem:$0x16300] =	vst v63  }
0x37: {  	_ = 	snop  }
0x38: {  	[tilespmem:s13], [sflag:$0x1] =	stream.indirect.gather [hbm4b:s1+s5], $0x80, s12, s5, $0xb8;
	[tilespmem:$0x16300] =	vst v63  }
0x39: {  	_ = 	snop  }
0x3a: {  	[tilespmem:s15], [sflag:$0x1] =	stream.indirect.gather [hbm4b:s1+s5], $0x80, s14, s5, $0xb8;
	[tilespmem:$0x16300] =	vst v63  }
0x3b: {  	_ = 	snop  }
0x3c: {  	[tilespmem:s18], [sflag:$0x1] =	stream.indirect.gather [hbm4b:s1+s16], $0x80, s17, s16, $0xb8;
	[tilespmem:$0x16300] =	vst v63  }
0x3d: {  	_ =	swait.ge [sflag:s19], $0x4000  }
0x3e: {  	[sflag:s19] =	ssyncset.done $0x0  }
0x3f: {  	[sflag:s19] =	ssyncadd.s32 $0xFFFFC000  }
0x40: {  	_ =	swait.ge [sflag:s19], $0x4000  }
0x41: {  	[sflag:s19] =	ssyncset.done $0x0  }
0x42: {  	[sflag:s19] =	ssyncadd.s32 $0xFFFFC000  }
0x43: {  	_ =	swait.ge [sflag:s19], $0x4000  }
0x44: {  	[sflag:s19] =	ssyncset.done $0x0  }
0x45: {  	[sflag:s19] =	ssyncadd.s32 $0xFFFFC000  }
0x46: {  	_ =	swait.ge [sflag:s19], $0x4000  }
0x47: {  	[sflag:s19] =	ssyncset.done $0x0  }
0x48: {  	[sflag:s19] =	ssyncadd.s32 $0xFFFFC000  }
0x49: {  	_ =	swait.ge [sflag:s19], $0x4000  }
0x4a: {  	[sflag:s19] =	ssyncset.done $0x0  }
0x4b: {  	[sflag:s19] =	ssyncadd.s32 $0xFFFFC000  }
0x4c: {  	_ =	swait.ge [sflag:s19], $0x2000  }
.Ltmp1:
0x4d: {  	[sflag:s19] =	ssyncset.done $0x0;
	(pc) =	sbr.rel @p0 .LBB2_1-.Ltmp1, $4  }
0x4e: {  	[sflag:s19] =	ssyncadd.s32 $0xFFFFE000  }
0x4f: {  	[hbm4b:s20+s3] =	stream.linear.scatter [tilespmem:s8], [sflag:$0x2], $0x16000, $0x38;
	[tilespmem:$0x16300] =	vst v63  }
0x50: {  	_ =	swait.ge [sflag:s6], $0x16000  }
0x51: {  	[sflag:s6] =	ssyncset.done $0x0  }
.LBB2_2:
0x52: {  	[sflag:s6] =	ssyncadd.s32 $0xFFFEA000  }
0x53: {  	_ =	sfence.sel $0x180000  }
0x54: {  	[bflag:$0x0] =	sbarrier.arrive $0xFFFF  }
0x55: {  	p0 =	sne.s32 s0, $0x0;
	_ =	strace $0x90000047  }
0x56: {  	s0 =	sadd.s32 @!p0 $0x100000, s2;
	[bflag:$0x2] =	sbarrier.arrive $0xFFFF  }
0x57: {  	[sflag:s0] =	ssyncadd.tile.s32 @!p0 $0x1;
	_ =	shalt  }
.Lfunc_end2:
_tile_overlayer_lowered:
.L_overlay_start_2:
0x58: {  	(tag) =	ssettag $0x2  }
0x59: {  	s0 =	rddreg [dreg:$0x0];
	s2 =	stileid.u32  }
0x5a: {  	s1 =	rddreg [dreg:$0x1];
	p0 =	sne.s32 s2, $0x0  }
0x5b: {  	s3 =	rddreg [dreg:$0x2];
	[bflag:$0x3] =	sbarrier.arrive $0xFFFF;
	s2 =	simm.s32 @!p0 $0x1C02  }
0x5c: {  	[timem:s3], [sflag:s2] =	dma.local @!p0 [hbm:s0], s1  }
0x5d: {  	s0 =	simm.s32 @!p0 $0x2  }
0x5e: {  	_ =	swait.ge @!p0 [sflag:s0], s1  }
0x5f: {  	s1 =	ssub.s32 @!p0 $0x0, s1;
	[sflag:s0] =	ssyncset.done @!p0 $0x0  }
0x60: {  	[sflag:s0] =	ssyncadd.s32 @!p0 s1  }
0x61: {  	[bflag:$0x3] =	sbarrier.arrive $0xFFFF  }
0x62: {  	_ =	shalt  }

</sc_bundles>
